<compile_context>
chip_gen: v7x
topology: tpu7x:2x2x1
jax: 0.10.2.dev20260603
libtpu: 0.0.44.dev20260713+nightly
codegen_flags: <defaults>
</compile_context>

<pallas_src>
import functools

import jax
import jax.numpy as jnp
from jax import lax
from jax.experimental import pallas as pl
from jax.experimental.pallas import tpu as pltpu
from jax.experimental.pallas import tpu_sc as plsc

N_NODES = 10000
N_EDGES = 320000
BN_EPS = 1e-5

_NC = 2
_NS = 16
_NW = _NC * _NS
_L = 16
_NPAD = 10240


def _deg_body(col_hbm, out_hbm, colbuf, degbuf):
    wid = lax.axis_index("s") * _NC + lax.axis_index("c")
    pltpu.sync_copy(col_hbm.at[pl.ds(wid * _EPW, _EPW)], colbuf)

    zeros16 = jnp.zeros((_L,), jnp.float32)
    ones16 = jnp.ones((_L,), jnp.float32)

    def _zero(i, _):
        degbuf[pl.ds(i * _L, _L)] = zeros16
        return ()

    lax.fori_loop(0, _NPAD // _L, _zero, (), unroll=8)

    def _hist(i, _):
        idx = colbuf[pl.ds(i * _L, _L)]
        plsc.addupdate_scatter(degbuf, [idx], ones16)
        return ()

    lax.fori_loop(0, _EPW // _L, _hist, (), unroll=8)
    pltpu.sync_copy(degbuf, out_hbm.at[wid])


@functools.partial(jax.jit, static_argnames=())
def _deg_partials(col):
    mesh = plsc.VectorSubcoreMesh(core_axis_name="c", subcore_axis_name="s")
    return pl.kernel(
        _deg_body,
        out_type=jax.ShapeDtypeStruct((_NW, _NPAD), jnp.float32),
        mesh=mesh,
        scratch_types=[
            pltpu.VMEM((_EPW,), jnp.int32),
            pltpu.VMEM((_NPAD,), jnp.float32),
        ],
        compiler_params=pltpu.CompilerParams(needs_layout_passes=False),
    )(col)


_CHUNK = 125
_NCHUNK = 80
_HCHUNK = _NCHUNK // 2
_EPW = _NCHUNK * _CHUNK
_ZROWS = 128
_RPT = _NPAD // _NS


def _make_agg(D, tc_tiling=True, halves=2):
    spc = _NCHUNK // halves

    def body(g_hbm, row_hbm, col_hbm, out_hbm, rowbuf, colbuf, msg, acc,
             gsem0, gsem1):
        c = lax.axis_index("c")
        s = lax.axis_index("s")
        wid = s * _NC + c

        zeros16 = jnp.zeros((_L,), jnp.float32)

        def _zero(i, _):
            msg[i // (D // _L), pl.ds((i % (D // _L)) * _L, _L)] = zeros16
            return ()

        lax.fori_loop(0, _ZROWS * D // _L, _zero, (), unroll=8)

        for j in range(_RPT // _ZROWS):
            pltpu.sync_copy(msg.at[pl.ds(0, _ZROWS)],
                            acc.at[pl.ds(s * _RPT + j * _ZROWS, _ZROWS)])
        plsc.subcore_barrier()

        slot0 = msg.at[pl.ds(0, _CHUNK)]
        slot1 = msg.at[pl.ds(_CHUNK, _CHUNK)]

        for half in range(halves):
            pltpu.sync_copy(row_hbm.at[wid, half], rowbuf)
            pltpu.sync_copy(col_hbm.at[wid, half], colbuf)

            pltpu.async_copy(g_hbm.at[rowbuf.at[0]], slot0, gsem0)

            def _step(i, _):
                k0 = 2 * i
                pltpu.async_copy(g_hbm.at[rowbuf.at[k0 + 1]], slot1, gsem1)
                pltpu.make_async_copy(g_hbm.at[rowbuf.at[k0]], slot0,
                                      gsem0).wait()
                pltpu.sync_copy(slot0, acc.at[colbuf.at[k0]], add=True)

                @pl.when(k0 + 2 < spc)
                def _():
                    pltpu.async_copy(g_hbm.at[rowbuf.at[k0 + 2]], slot0, gsem0)

                pltpu.make_async_copy(g_hbm.at[rowbuf.at[k0 + 1]], slot1,
                                      gsem1).wait()
                pltpu.sync_copy(slot1, acc.at[colbuf.at[k0 + 1]], add=True)
                return ()

            lax.fori_loop(0, spc // 2, _step, ())
        plsc.subcore_barrier()
        pltpu.sync_copy(acc.at[pl.ds(s * _RPT, _RPT)],
                        out_hbm.at[c, pl.ds(s * _RPT, _RPT)])

    mesh = plsc.VectorSubcoreMesh(core_axis_name="c", subcore_axis_name="s")
    return pl.kernel(
        body,
        out_type=jax.ShapeDtypeStruct((_NC, _NPAD, D), jnp.float32),
        mesh=mesh,
        scratch_types=[
            pltpu.VMEM((spc, _CHUNK), jnp.int32),
            pltpu.VMEM((spc, _CHUNK), jnp.int32),
            pltpu.VMEM((2 * _CHUNK, D), jnp.float32),
            pltpu.VMEM_SHARED((_NPAD, D), jnp.float32),
            pltpu.SemaphoreType.DMA,
            pltpu.SemaphoreType.DMA,
        ],
        compiler_params=pltpu.CompilerParams(
            needs_layout_passes=False, use_tc_tiling_on_sc=tc_tiling),
    )


_B = 1000
_NB = N_NODES // _B


_DB = 1024


def _prep_body(xp_ref, w1_ref, degp_ref, g1_ref, disb_ref):
    ones = jnp.ones((_NW, 1), jnp.float32)
    deg = 1.0 + lax.dot_general(degp_ref[...], ones, (((0,), (0,)), ((), ())),
                                preferred_element_type=jnp.float32)
    dis = lax.rsqrt(deg)
    disb_ref[...] = jnp.broadcast_to(dis, (_DB, 128))
    h = jnp.dot(xp_ref[...], w1_ref[...], preferred_element_type=jnp.float32)
    g1_ref[...] = h * dis


def _prep(xp, W1, degp):
    return pl.pallas_call(
        _prep_body,
        grid=(_NPAD // _DB,),
        in_specs=[
            pl.BlockSpec((_DB, 128), lambda j: (j, 0)),
            pl.BlockSpec((128, 128), lambda j: (0, 0)),
            pl.BlockSpec((_NW, _DB), lambda j: (0, j)),
        ],
        out_specs=[
            pl.BlockSpec((_DB, 128), lambda j: (j, 0)),
            pl.BlockSpec((_DB, 128), lambda j: (j, 0)),
        ],
        out_shape=[
            jax.ShapeDtypeStruct((_NPAD, 128), jnp.float32),
            jax.ShapeDtypeStruct((_NPAD, 128), jnp.float32),
        ],
    )(xp, W1, degp)


def _bn_body(aggp_ref, g1_ref, disb_ref, b1_ref, gam_ref, bet_ref, w2_ref,
             g2_ref, t_scr, stat_scr):
    p = pl.program_id(0)
    j = pl.program_id(1)

    @pl.when(p == 0)
    def _pass1():
        t = disb_ref[...] * (aggp_ref[0] + aggp_ref[1] + g1_ref[...]) \
            + b1_ref[...]
        t_scr[pl.ds(j * _B, _B), :] = t

        @pl.when(j == 0)
        def _init():
            stat_scr[...] = jnp.zeros_like(stat_scr)

        stat_scr[0:1, :] += jnp.sum(t, axis=0, keepdims=True)
        stat_scr[1:2, :] += jnp.sum(t * t, axis=0, keepdims=True)

    @pl.when(p == 1)
    def _pass2():
        t = t_scr[pl.ds(j * _B, _B), :]
        mean = stat_scr[0:1, :] * (1.0 / N_NODES)
        var = stat_scr[1:2, :] * (1.0 / N_NODES) - mean * mean
        hn = gam_ref[...] * (t - mean) * lax.rsqrt(var + BN_EPS) + bet_ref[...]
        h = jnp.maximum(hn, 0.0)
        g2_ref[...] = jnp.dot(h, w2_ref[...],
                              preferred_element_type=jnp.float32) \
            * disb_ref[:, 0:1]


def _bn_mm2(aggp, g1, disb, b1r, gammar, betar, W2p):
    return pl.pallas_call(
        _bn_body,
        grid=(2, _NB),
        in_specs=[
            pl.BlockSpec((_NC, _B, 128), lambda p, j: (0, j * (1 - p), 0)),
            pl.BlockSpec((_B, 128), lambda p, j: (j * (1 - p), 0)),
            pl.BlockSpec((_B, 128), lambda p, j: (j, 0)),
            pl.BlockSpec((1, 128), lambda p, j: (0, 0)),
            pl.BlockSpec((1, 128), lambda p, j: (0, 0)),
            pl.BlockSpec((1, 128), lambda p, j: (0, 0)),
            pl.BlockSpec((128, 48), lambda p, j: (0, 0)),
        ],
        out_specs=pl.BlockSpec((_B, 48), lambda p, j: (j, 0)),
        out_shape=jax.ShapeDtypeStruct((N_NODES, 48), jnp.float32),
        scratch_shapes=[
            pltpu.VMEM((N_NODES, 128), jnp.float32),
            pltpu.VMEM((8, 128), jnp.float32),
        ],
    )(aggp, g1, disb, b1r, gammar, betar, W2p)


def _final_body(aggp_ref, g2_ref, disb_ref, b2_ref, out_ref):
    a = aggp_ref[0, :, :40] + aggp_ref[1, :, :40] + g2_ref[:, :40]
    out_ref[...] = disb_ref[:, 0:40] * a + b2_ref[...]


def _final(aggp, g2, disb, b2r):
    return pl.pallas_call(
        _final_body,
        grid=(_NB,),
        in_specs=[
            pl.BlockSpec((_NC, _B, 48), lambda j: (0, j, 0)),
            pl.BlockSpec((_B, 48), lambda j: (j, 0)),
            pl.BlockSpec((_B, 128), lambda j: (j, 0)),
            pl.BlockSpec((1, 40), lambda j: (0, 0)),
        ],
        out_specs=pl.BlockSpec((_B, 40), lambda j: (j, 0)),
        out_shape=jax.ShapeDtypeStruct((N_NODES, 40), jnp.float32),
    )(aggp, g2, disb, b2r)


def kernel(x, edge_index, W1, b1, gamma, beta, W2, b2):
    row = edge_index[0]
    col = edge_index[1]
    row3d = row.reshape(_NW, 2, _HCHUNK, _CHUNK)
    col3d = col.reshape(_NW, 2, _HCHUNK, _CHUNK)

    degp = _deg_partials(col)

    xp = jnp.pad(x, ((0, _NPAD - N_NODES), (0, 0)))
    g1, disb = _prep(xp, W1, degp)
    agg1p = _make_agg(128)(g1, row3d, col3d)

    W2p = jnp.pad(W2, ((0, 0), (0, 8)))
    g2 = _bn_mm2(agg1p, g1, disb, b1.reshape(1, 128),
                 gamma.reshape(1, 128), beta.reshape(1, 128), W2p)
    row3d1 = row.reshape(_NW, 1, _NCHUNK, _CHUNK)
    col3d1 = col.reshape(_NW, 1, _NCHUNK, _CHUNK)
    agg2p = _make_agg(48, tc_tiling=False, halves=1)(g2, row3d1, col3d1)

    return _final(agg2p, g2, disb, b2.reshape(1, 40))

# --- scband reference (transcript-rebuilt; emitter-appended) ---
"""Pipeline reference for scband-gnnsafe-88682484728259 (READ-ONLY COPY).

The authoritative reference and input builder live on the scoring server;
editing this copy changes nothing except your own understanding.
"""

import jax, jax.numpy as jnp
import numpy as np

N_NODES = 10000
N_EDGES = 320000
D_IN = 128
D_HID = 128
D_OUT = 40
BN_EPS = 1e-5


def setup_inputs(seed: int = 0) -> dict:
    key = jax.random.key(seed)
    ks = jax.random.split(key, 10)
    x = jax.random.normal(ks[0], (N_NODES, D_IN), dtype=jnp.float32)
    edge_index = jax.random.randint(ks[1], (2, N_EDGES), 0, N_NODES, dtype=jnp.int32)
    # GCN layer 1 params
    W1 = jax.random.normal(ks[2], (D_IN, D_HID), dtype=jnp.float32) * (1.0 / np.sqrt(D_IN))
    b1 = jnp.zeros((D_HID,), dtype=jnp.float32)
    # BatchNorm params
    gamma = jnp.ones((D_HID,), dtype=jnp.float32)
    beta = jnp.zeros((D_HID,), dtype=jnp.float32)
    # GCN layer 2 params
    W2 = jax.random.normal(ks[3], (D_HID, D_OUT), dtype=jnp.float32) * (1.0 / np.sqrt(D_HID))
    b2 = jnp.zeros((D_OUT,), dtype=jnp.float32)
    return {"x": x, "edge_index": edge_index, "W1": W1, "b1": b1,
            "gamma": gamma, "beta": beta, "W2": W2, "b2": b2}


def _gcn_norm(edge_index, n_nodes):
    # add self loops
    loop = jnp.arange(n_nodes, dtype=edge_index.dtype)
    row = jnp.concatenate([edge_index[0], loop])
    col = jnp.concatenate([edge_index[1], loop])
    ones = jnp.ones((row.shape[0],), dtype=jnp.float32)
    deg = jax.ops.segment_sum(ones, col, num_segments=n_nodes)
    deg_inv_sqrt = jnp.where(deg > 0, deg ** -0.5, 0.0)
    norm = deg_inv_sqrt[row] * deg_inv_sqrt[col]
    return row, col, norm


def _gcn_conv(x, W, b, row, col, norm, n_nodes):
    h = x @ W
    msg = h[row] * norm[:, None]
    out = jax.ops.segment_sum(msg, col, num_segments=n_nodes)
    return out + b


def reference(x, edge_index, W1, b1, gamma, beta, W2, b2):
    n_nodes = x.shape[0]
    row, col, norm = _gcn_norm(edge_index, n_nodes)
    # layer 1: GCNConv -> BN -> ReLU (dropout is identity at inference)
    h = _gcn_conv(x, W1, b1, row, col, norm, n_nodes)
    mean = jnp.mean(h, axis=0)
    var = jnp.var(h, axis=0)
    h = gamma * (h - mean) / jnp.sqrt(var + BN_EPS) + beta
    h = jax.nn.relu(h)
    # layer 2: GCNConv -> logits
    out = _gcn_conv(h, W2, b2, row, col, norm, n_nodes)
    return out

if __name__ == "__main__":
    import jax
    _d = setup_inputs()
    print(jax.jit(kernel)(*tuple(_d.values())))

</pallas_src>

<mosaic_0001>
#map = affine_map<(d0, d1) -> (0)>
#map1 = affine_map<(d0, d1) -> (0, 0)>
module attributes {stable_mosaic.version = 14 : i64} {
  func.func @_deg_body(%arg0: i32, %arg1: i32, %arg2: memref<320000xi32, #tpu.memory_space<hbm>>, %arg3: memref<32x10240xf32, #tpu.memory_space<hbm>>, %arg4: memref<10000xi32, #tpu.memory_space<vmem>>, %arg5: memref<10240xf32, #tpu.memory_space<vmem>>) attributes {dimension_semantics = [#tpu.dimension_semantics<core_parallel>, #tpu.dimension_semantics<subcore_parallel>], iteration_bounds = array<i64: 2, 16>, scalar_prefetch = 0 : i64, scratch_operands = 2 : i64, tpu.core_type = #tpu.core_type<sc_vector_subcore>, window_params = [{transform_indices = #map}, {transform_indices = #map1}]} {
    %mul3A = arith.constant 2 : i32
    %mul3A_0 = arith.muli %arg1, %mul3A : i32
    %add3A = arith.addi %mul3A_0, %arg0 : i32
    %mul3A_1 = arith.constant 10000 : i32
    %mul3A_2 = arith.muli %add3A, %mul3A_1 : i32
    "tpu.region"() ({
      %run_scoped3A = tpu.sem_alloc : memref<!tpu.dma_semaphore, #tpu.memory_space<semaphore_mem>>
      %dma_start3A = tpu.memref_slice %arg2[%mul3A_2] : memref<320000xi32, #tpu.memory_space<hbm>> -> memref<10000xi32, #tpu.memory_space<hbm>>
      %dma_start3A_20 = tpu.memref_slice %arg2[%mul3A_2] : memref<320000xi32, #tpu.memory_space<hbm>> -> memref<10000xi32, #tpu.memory_space<hbm>>
      tpu.enqueue_dma source(%dma_start3A_20 : memref<10000xi32, #tpu.memory_space<hbm>>) target(%arg4 : memref<10000xi32, #tpu.memory_space<vmem>>) target_semaphore(%run_scoped3A : memref<!tpu.dma_semaphore, #tpu.memory_space<semaphore_mem>>)
      %dma_wait3A = tpu.memref_slice %arg2[%mul3A_2] : memref<320000xi32, #tpu.memory_space<hbm>> -> memref<10000xi32, #tpu.memory_space<hbm>>
      %dma_wait3A_21 = tpu.memref_slice %arg2[%mul3A_2] : memref<320000xi32, #tpu.memory_space<hbm>> -> memref<10000xi32, #tpu.memory_space<hbm>>
      tpu.wait_dma2 semaphore(%run_scoped3A : memref<!tpu.dma_semaphore, #tpu.memory_space<semaphore_mem>>) src(%dma_wait3A_21 : memref<10000xi32, #tpu.memory_space<hbm>>) dst(%arg4 : memref<10000xi32, #tpu.memory_space<vmem>>)
      tpu.yield
    }) : () -> ()
    %broadcast_in_dim3A = arith.constant 0.000000e+00 : f32
    %broadcast_in_dim3A_3 = vector.broadcast %broadcast_in_dim3A : f32 to vector<16xf32>
    %broadcast_in_dim3A_4 = arith.constant 1.000000e+00 : f32
    %broadcast_in_dim3A_5 = vector.broadcast %broadcast_in_dim3A_4 : f32 to vector<16xf32>
    %scan3A = arith.constant 0 : i32
    %scan3A_6 = arith.constant 640 : i32
    %scan3A_7 = arith.addi %scan3A, %scan3A_6 : i32
    %scan3A_8 = arith.constant 8 : i32
    scf.for %scan3A_20 = %scan3A to %scan3A_7 step %scan3A_8  : i32 {
      %mul3A_21 = arith.constant 16 : i32
      %mul3A_22 = arith.muli %scan3A_20, %mul3A_21 : i32
      %swap3A = arith.index_cast %mul3A_22 : i32 to index
      %swap3A_23 = tpu.vector_load %arg5[%swap3A] {strides = array<i32>} : memref<10240xf32, #tpu.memory_space<vmem>>, vector<16xf32>,
      tpu.vector_store %arg5[%swap3A], %broadcast_in_dim3A_3 {strides = array<i32>} : memref<10240xf32, #tpu.memory_space<vmem>>, vector<16xf32>,
      %scan3A_24 = arith.constant 1 : i32
      %scan3A_25 = arith.addi %scan3A_20, %scan3A_24 : i32
      %mul3A_26 = arith.constant 16 : i32
      %mul3A_27 = arith.muli %scan3A_25, %mul3A_26 : i32
      %swap3A_28 = arith.index_cast %mul3A_27 : i32 to index
      %swap3A_29 = tpu.vector_load %arg5[%swap3A_28] {strides = array<i32>} : memref<10240xf32, #tpu.memory_space<vmem>>, vector<16xf32>,
      tpu.vector_store %arg5[%swap3A_28], %broadcast_in_dim3A_3 {strides = array<i32>} : memref<10240xf32, #tpu.memory_space<vmem>>, vector<16xf32>,
      %scan3A_30 = arith.constant 2 : i32
      %scan3A_31 = arith.addi %scan3A_20, %scan3A_30 : i32
      %mul3A_32 = arith.constant 16 : i32
      %mul3A_33 = arith.muli %scan3A_31, %mul3A_32 : i32
      %swap3A_34 = arith.index_cast %mul3A_33 : i32 to index
      %swap3A_35 = tpu.vector_load %arg5[%swap3A_34] {strides = array<i32>} : memref<10240xf32, #tpu.memory_space<vmem>>, vector<16xf32>,
      tpu.vector_store %arg5[%swap3A_34], %broadcast_in_dim3A_3 {strides = array<i32>} : memref<10240xf32, #tpu.memory_space<vmem>>, vector<16xf32>,
      %scan3A_36 = arith.constant 3 : i32
      %scan3A_37 = arith.addi %scan3A_20, %scan3A_36 : i32
      %mul3A_38 = arith.constant 16 : i32
      %mul3A_39 = arith.muli %scan3A_37, %mul3A_38 : i32
      %swap3A_40 = arith.index_cast %mul3A_39 : i32 to index
      %swap3A_41 = tpu.vector_load %arg5[%swap3A_40] {strides = array<i32>} : memref<10240xf32, #tpu.memory_space<vmem>>, vector<16xf32>,
      tpu.vector_store %arg5[%swap3A_40], %broadcast_in_dim3A_3 {strides = array<i32>} : memref<10240xf32, #tpu.memory_space<vmem>>, vector<16xf32>,
      %scan3A_42 = arith.constant 4 : i32
      %scan3A_43 = arith.addi %scan3A_20, %scan3A_42 : i32
      %mul3A_44 = arith.constant 16 : i32
      %mul3A_45 = arith.muli %scan3A_43, %mul3A_44 : i32
      %swap3A_46 = arith.index_cast %mul3A_45 : i32 to index
      %swap3A_47 = tpu.vector_load %arg5[%swap3A_46] {strides = array<i32>} : memref<10240xf32, #tpu.memory_space<vmem>>, vector<16xf32>,
      tpu.vector_store %arg5[%swap3A_46], %broadcast_in_dim3A_3 {strides = array<i32>} : memref<10240xf32, #tpu.memory_space<vmem>>, vector<16xf32>,
      %scan3A_48 = arith.constant 5 : i32
      %scan3A_49 = arith.addi %scan3A_20, %scan3A_48 : i32
      %mul3A_50 = arith.constant 16 : i32
      %mul3A_51 = arith.muli %scan3A_49, %mul3A_50 : i32
      %swap3A_52 = arith.index_cast %mul3A_51 : i32 to index
      %swap3A_53 = tpu.vector_load %arg5[%swap3A_52] {strides = array<i32>} : memref<10240xf32, #tpu.memory_space<vmem>>, vector<16xf32>,
      tpu.vector_store %arg5[%swap3A_52], %broadcast_in_dim3A_3 {strides = array<i32>} : memref<10240xf32, #tpu.memory_space<vmem>>, vector<16xf32>,
      %scan3A_54 = arith.constant 6 : i32
      %scan3A_55 = arith.addi %scan3A_20, %scan3A_54 : i32
      %mul3A_56 = arith.constant 16 : i32
      %mul3A_57 = arith.muli %scan3A_55, %mul3A_56 : i32
      %swap3A_58 = arith.index_cast %mul3A_57 : i32 to index
      %swap3A_59 = tpu.vector_load %arg5[%swap3A_58] {strides = array<i32>} : memref<10240xf32, #tpu.memory_space<vmem>>, vector<16xf32>,
      tpu.vector_store %arg5[%swap3A_58], %broadcast_in_dim3A_3 {strides = array<i32>} : memref<10240xf32, #tpu.memory_space<vmem>>, vector<16xf32>,
      %scan3A_60 = arith.constant 7 : i32
      %scan3A_61 = arith.addi %scan3A_20, %scan3A_60 : i32
      %mul3A_62 = arith.constant 16 : i32
      %mul3A_63 = arith.muli %scan3A_61, %mul3A_62 : i32
      %swap3A_64 = arith.index_cast %mul3A_63 : i32 to index
      %swap3A_65 = tpu.vector_load %arg5[%swap3A_64] {strides = array<i32>} : memref<10240xf32, #tpu.memory_space<vmem>>, vector<16xf32>,
      tpu.vector_store %arg5[%swap3A_64], %broadcast_in_dim3A_3 {strides = array<i32>} : memref<10240xf32, #tpu.memory_space<vmem>>, vector<16xf32>,
    }
    %scan3A_9 = arith.constant 640 : i32
    %scan3A_10 = arith.constant 0 : i32
    %scan3A_11 = arith.constant 624 : i32
    %scan3A_12 = arith.addi %scan3A_10, %scan3A_11 : i32
    %scan3A_13 = arith.constant 8 : i32
    scf.for %scan3A_20 = %scan3A_10 to %scan3A_12 step %scan3A_13  : i32 {
      %mul3A_21 = arith.constant 16 : i32
      %mul3A_22 = arith.muli %scan3A_20, %mul3A_21 : i32
      %get3A_23 = arith.index_cast %mul3A_22 : i32 to index
      %get3A_24 = tpu.vector_load %arg4[%get3A_23] {strides = array<i32>} : memref<10000xi32, #tpu.memory_space<vmem>>, vector<16xi32>,
      tpu.vector_store_idx %arg5[%get3A_24], %broadcast_in_dim3A_5 {add = true} : memref<10240xf32, #tpu.memory_space<vmem>>[vector<16xi32>], vector<16xf32>,
      %scan3A_25 = arith.constant 1 : i32
      %scan3A_26 = arith.addi %scan3A_20, %scan3A_25 : i32
      %mul3A_27 = arith.constant 16 : i32
      %mul3A_28 = arith.muli %scan3A_26, %mul3A_27 : i32
      %get3A_29 = arith.index_cast %mul3A_28 : i32 to index
      %get3A_30 = tpu.vector_load %arg4[%get3A_29] {strides = array<i32>} : memref<10000xi32, #tpu.memory_space<vmem>>, vector<16xi32>,
      tpu.vector_store_idx %arg5[%get3A_30], %broadcast_in_dim3A_5 {add = true} : memref<10240xf32, #tpu.memory_space<vmem>>[vector<16xi32>], vector<16xf32>,
      %scan3A_31 = arith.constant 2 : i32
      %scan3A_32 = arith.addi %scan3A_20, %scan3A_31 : i32
      %mul3A_33 = arith.constant 16 : i32
      %mul3A_34 = arith.muli %scan3A_32, %mul3A_33 : i32
      %get3A_35 = arith.index_cast %mul3A_34 : i32 to index
      %get3A_36 = tpu.vector_load %arg4[%get3A_35] {strides = array<i32>} : memref<10000xi32, #tpu.memory_space<vmem>>, vector<16xi32>,
      tpu.vector_store_idx %arg5[%get3A_36], %broadcast_in_dim3A_5 {add = true} : memref<10240xf32, #tpu.memory_space<vmem>>[vector<16xi32>], vector<16xf32>,
      %scan3A_37 = arith.constant 3 : i32
      %scan3A_38 = arith.addi %scan3A_20, %scan3A_37 : i32
      %mul3A_39 = arith.constant 16 : i32
      %mul3A_40 = arith.muli %scan3A_38, %mul3A_39 : i32
      %get3A_41 = arith.index_cast %mul3A_40 : i32 to index
      %get3A_42 = tpu.vector_load %arg4[%get3A_41] {strides = array<i32>} : memref<10000xi32, #tpu.memory_space<vmem>>, vector<16xi32>,
      tpu.vector_store_idx %arg5[%get3A_42], %broadcast_in_dim3A_5 {add = true} : memref<10240xf32, #tpu.memory_space<vmem>>[vector<16xi32>], vector<16xf32>,
      %scan3A_43 = arith.constant 4 : i32
      %scan3A_44 = arith.addi %scan3A_20, %scan3A_43 : i32
      %mul3A_45 = arith.constant 16 : i32
      %mul3A_46 = arith.muli %scan3A_44, %mul3A_45 : i32
      %get3A_47 = arith.index_cast %mul3A_46 : i32 to index
      %get3A_48 = tpu.vector_load %arg4[%get3A_47] {strides = array<i32>} : memref<10000xi32, #tpu.memory_space<vmem>>, vector<16xi32>,
      tpu.vector_store_idx %arg5[%get3A_48], %broadcast_in_dim3A_5 {add = true} : memref<10240xf32, #tpu.memory_space<vmem>>[vector<16xi32>], vector<16xf32>,
      %scan3A_49 = arith.constant 5 : i32
      %scan3A_50 = arith.addi %scan3A_20, %scan3A_49 : i32
      %mul3A_51 = arith.constant 16 : i32
      %mul3A_52 = arith.muli %scan3A_50, %mul3A_51 : i32
      %get3A_53 = arith.index_cast %mul3A_52 : i32 to index
      %get3A_54 = tpu.vector_load %arg4[%get3A_53] {strides = array<i32>} : memref<10000xi32, #tpu.memory_space<vmem>>, vector<16xi32>,
      tpu.vector_store_idx %arg5[%get3A_54], %broadcast_in_dim3A_5 {add = true} : memref<10240xf32, #tpu.memory_space<vmem>>[vector<16xi32>], vector<16xf32>,
      %scan3A_55 = arith.constant 6 : i32
      %scan3A_56 = arith.addi %scan3A_20, %scan3A_55 : i32
      %mul3A_57 = arith.constant 16 : i32
      %mul3A_58 = arith.muli %scan3A_56, %mul3A_57 : i32
      %get3A_59 = arith.index_cast %mul3A_58 : i32 to index
      %get3A_60 = tpu.vector_load %arg4[%get3A_59] {strides = array<i32>} : memref<10000xi32, #tpu.memory_space<vmem>>, vector<16xi32>,
      tpu.vector_store_idx %arg5[%get3A_60], %broadcast_in_dim3A_5 {add = true} : memref<10240xf32, #tpu.memory_space<vmem>>[vector<16xi32>], vector<16xf32>,
      %scan3A_61 = arith.constant 7 : i32
      %scan3A_62 = arith.addi %scan3A_20, %scan3A_61 : i32
      %mul3A_63 = arith.constant 16 : i32
      %mul3A_64 = arith.muli %scan3A_62, %mul3A_63 : i32
      %get3A_65 = arith.index_cast %mul3A_64 : i32 to index
      %get3A_66 = tpu.vector_load %arg4[%get3A_65] {strides = array<i32>} : memref<10000xi32, #tpu.memory_space<vmem>>, vector<16xi32>,
      tpu.vector_store_idx %arg5[%get3A_66], %broadcast_in_dim3A_5 {add = true} : memref<10240xf32, #tpu.memory_space<vmem>>[vector<16xi32>], vector<16xf32>,
    }
    %scan3A_14 = arith.constant 624 : i32
    %scan3A_15 = arith.addi %scan3A_10, %scan3A_14 : i32
    %mul3A_16 = arith.constant 16 : i32
    %mul3A_17 = arith.muli %scan3A_15, %mul3A_16 : i32
    %get3A = arith.index_cast %mul3A_17 : i32 to index
    %get3A_18 = tpu.vector_load %arg4[%get3A] {strides = array<i32>} : memref<10000xi32, #tpu.memory_space<vmem>>, vector<16xi32>,
    tpu.vector_store_idx %arg5[%get3A_18], %broadcast_in_dim3A_5 {add = true} : memref<10240xf32, #tpu.memory_space<vmem>>[vector<16xi32>], vector<16xf32>,
    %scan3A_19 = arith.constant 625 : i32
    "tpu.region"() ({
      %run_scoped3A = tpu.sem_alloc : memref<!tpu.dma_semaphore, #tpu.memory_space<semaphore_mem>>
      %dma_start3A = arith.constant 0 : i32
      %dma_start3A_20 = tpu.memref_slice %arg3[%add3A, %dma_start3A] : memref<32x10240xf32, #tpu.memory_space<hbm>> -> memref<1x10240xf32, #tpu.memory_space<hbm>>
      %dma_start3A_21 = tpu.memref_squeeze %dma_start3A_20 : memref<1x10240xf32, #tpu.memory_space<hbm>> -> memref<10240xf32, #tpu.memory_space<hbm>>
      %dma_start3A_22 = arith.constant 0 : i32
      %dma_start3A_23 = tpu.memref_slice %arg3[%add3A, %dma_start3A_22] : memref<32x10240xf32, #tpu.memory_space<hbm>> -> memref<1x10240xf32, #tpu.memory_space<hbm>>
      %dma_start3A_24 = tpu.memref_squeeze %dma_start3A_23 : memref<1x10240xf32, #tpu.memory_space<hbm>> -> memref<10240xf32, #tpu.memory_space<hbm>>
      tpu.enqueue_dma source(%arg5 : memref<10240xf32, #tpu.memory_space<vmem>>) target(%dma_start3A_24 : memref<10240xf32, #tpu.memory_space<hbm>>) target_semaphore(%run_scoped3A : memref<!tpu.dma_semaphore, #tpu.memory_space<semaphore_mem>>)
      %dma_wait3A = arith.constant 0 : i32
      %dma_wait3A_25 = tpu.memref_slice %arg3[%add3A, %dma_wait3A] : memref<32x10240xf32, #tpu.memory_space<hbm>> -> memref<1x10240xf32, #tpu.memory_space<hbm>>
      %dma_wait3A_26 = tpu.memref_squeeze %dma_wait3A_25 : memref<1x10240xf32, #tpu.memory_space<hbm>> -> memref<10240xf32, #tpu.memory_space<hbm>>
      %dma_wait3A_27 = arith.constant 0 : i32
      %dma_wait3A_28 = tpu.memref_slice %arg3[%add3A, %dma_wait3A_27] : memref<32x10240xf32, #tpu.memory_space<hbm>> -> memref<1x10240xf32, #tpu.memory_space<hbm>>
      %dma_wait3A_29 = tpu.memref_squeeze %dma_wait3A_28 : memref<1x10240xf32, #tpu.memory_space<hbm>> -> memref<10240xf32, #tpu.memory_space<hbm>>
      tpu.wait_dma2 semaphore(%run_scoped3A : memref<!tpu.dma_semaphore, #tpu.memory_space<semaphore_mem>>) src(%arg5 : memref<10240xf32, #tpu.memory_space<vmem>>) dst(%dma_wait3A_29 : memref<10240xf32, #tpu.memory_space<hbm>>)
      tpu.yield
    }) : () -> ()
    return
  }
}

</mosaic_0001>

<sc_bundles>
// kernel: _deg_partials.3.cloned.1.call-start
scs
__scs_entry_jumppad:
0x0: {  	(pc) =	sbr.rel $0x88, $3  }
0x1: {  	(tag) =	ssettag $0x0;
	lr =	simm.s32 $0x1  }
0x2: {  	[smem:$0x3FA0] =	sst lr;
	_ =	strace $0xD0000000  }
0x3: {  	_ = 	snop  }
0x4: {  	_ = 	snop  }
0x5: {  	_ = 	snop  }
0x6: {  	_ = 	snop  }
0x7: {  	_ = 	snop  }
__scs_overlays_trampoline_lowered:
0x8: {  	[smem:$0x3FAF] =	sst s0  }
0x9: {  	[smem:$0x3FB0] =	sst s1  }
0xa: {  	[smem:$0x3FB1] =	sst s2  }
0xb: {  	[smem:$0x3FB2] =	sst s3  }
0xc: {  	[smem:$0x3FB3] =	sst s4  }
0xd: {  	[smem:$0x3FB4] =	sst s5  }
0xe: {  	[smem:$0x3FB5] =	sst s6  }
0xf: {  	[smem:$0x3FB6] =	sst s7  }
0x10: {  	[smem:$0x3FB7] =	sst s8  }
0x11: {  	[smem:$0x3FB8] =	sst s9;
	s0 =	simm.s32 @!p0 $0x0  }
0x12: {  	s1 =	sld [smem:$0x3F9E];
	s0 =	simm.s32 @p0 $0x1  }
0x13: {  	[smem:$0x3FB9] =	sst s0;
	s0 =	simm.s32 @!p1 $0x0  }
0x14: {  	s2 =	sld [smem:$0x3F9D];
	s0 =	simm.s32 @p1 $0x1  }
0x15: {  	[smem:$0x3FBA] =	sst s0;
	s0 =	simm.s32 @!p2 $0x0  }
0x16: {  	s3 =	sld [smem:$0x3FDB];
	s0 =	simm.s32 @p2 $0x1  }
0x17: {  	s4 =	simm.s32 $0x1BF5;
	[smem:$0x3FBC] =	sst s0  }
0x18: {  	s0 =	sld [smem:$0x3F9F];
	_ =	swait.ge [sflag:s4], $0x0  }
0x19: {  	s7 =	sld [smem:$0x3FA0]  }
0x1a: {  	s8 =	sadd.s32 $0xFFFFE003, lr  }
0x1b: {  	s9 =	sadd.s32 $0xFFFFFEF7, lr;
	s5 =	simm.s32 $0xFFFFFFFF;
	p2 =	slt.u32 s8, $0xFFFFF086  }
0x1c: {  	p1 =	slt.u32 s9, $0xF7A;
	s5 =	simm.s32 @!p2 $0x0  }
0x1d: {  	s5 =	simm.s32 @p1 $0x1;
	p0 =	seq.s32 s7, s2  }
0x1e: {  	s7 =	smul.u32 @!p0 $0xF7A, s2;
	p2 =	seq.s32 @!p0 s5, $0x0  }
0x1f: {  	s9 =	smul.u32 $0xF7A, s1;
	s8 =	simm.s32 @!p0 $0x1BF5;
	p2 =	por !p2, p0  }
0x20: {  	[sflag:s8] =	ssyncset.s32 @!p0 $0xFFFFF086;
	s6 =	sadd.s32 @!p0 s3, s7;
	s7 =	simm.s32 @!p0 $0x108  }
0x21: {  	s3 =	sadd.s32 s3, s9;
	s6 =	sadd.s32 @!p0 $0x88, s6;
	s7 =	simm.s32 @p2 $0x1082  }
0x22: {  	[simem:s7], [sflag:s8] =	dma.local @!p0 [hbm:s6], $0xF7A  }
0x23: {  	s9 =	sor.u32 $0xD0000000, s2;
	s6 =	simm.s32 $0x108;
	_ =	swait.ge @!p0 [sflag:s8], $0x0  }
0x24: {  	s3 =	sadd.s32 $0x88, s3;
	s6 =	simm.s32 @!p1 $0x1082;
	[sflag:s4] =	ssyncset.s32 $0xFFFFF086  }
0x25: {  	[simem:s6], [sflag:s4] =	dma.local [hbm:s3], $0xF7A  }
0x26: {  	[smem:$0x3FA0] =	sst s1;
	(tag) =	ssettag s2;
	_ =	strace s9  }
0x27: {  	s1 =	sld [smem:$0x3FB0]  }
0x28: {  	s2 =	sld [smem:$0x3FB1]  }
0x29: {  	s4 =	sld [smem:$0x3FB3]  }
0x2a: {  	p0 =	seq.s32 s5, $0x0;
	s5 =	sld [smem:$0x3FB4]  }
0x2b: {  	s6 =	sld [smem:$0x3FB5]  }
0x2c: {  	s7 =	sld [smem:$0x3FB6]  }
0x2d: {  	s3 =	simm.s32 $0x108;
	s8 =	sld [smem:$0x3FB7]  }
0x2e: {  	s3 =	simm.s32 @!p0 $0x1082;
	s9 =	sld [smem:$0x3FB8]  }
0x2f: {  	lr =	sadd.s32 s0, s3;
	s0 =	sld [smem:$0x3FAF]  }
0x30: {  	s3 =	sld [smem:$0x3FB2]  }
0x31: {  	[smem:$0x3FBB] =	sst s10  }
0x32: {  	s10 =	sld [smem:$0x3FB9];
	_ =	sdelay $0x3  }
0x33: {  	p0 =	seq.s32 s10, $0x1;
	s10 =	sld [smem:$0x3FBB];
	_ =	sdelay $0x3  }
0x34: {  	[smem:$0x3FBB] =	sst s10  }
0x35: {  	s10 =	sld [smem:$0x3FBA];
	_ =	sdelay $0x3  }
0x36: {  	p1 =	seq.s32 s10, $0x1;
	s10 =	sld [smem:$0x3FBB];
	_ =	sdelay $0x3  }
0x37: {  	[smem:$0x3FBB] =	sst s10  }
0x38: {  	s10 =	sld [smem:$0x3FBC]  }
0x39: {  	_ = 	snop;
	(pc) =	sbr.ind lr, $3  }
0x3a: {  	_ = 	snop  }
0x3b: {  	_ = 	snop  }
0x3c: {  	p2 =	seq.s32 s10, $0x1;
	s10 =	sld [smem:$0x3FBB]  }
0x3d: {  	_ =	shalt  }
0x3e: {  	_ =	shalt  }
0x3f: {  	_ =	shalt  }
0x40: {  	_ =	shalt  }
0x41: {  	_ =	shalt  }
0x42: {  	_ =	shalt  }
0x43: {  	_ =	shalt  }
0x44: {  	_ =	shalt  }
0x45: {  	_ =	shalt  }
0x46: {  	_ =	shalt  }
0x47: {  	_ =	shalt  }
0x48: {  	_ =	shalt  }
0x49: {  	_ =	shalt  }
0x4a: {  	_ =	shalt  }
0x4b: {  	_ =	shalt  }
0x4c: {  	_ =	shalt  }
0x4d: {  	_ =	shalt  }
0x4e: {  	_ =	shalt  }
0x4f: {  	_ =	shalt  }
0x50: {  	_ =	shalt  }
0x51: {  	_ =	shalt  }
0x52: {  	_ =	shalt  }
0x53: {  	_ =	shalt  }
0x54: {  	_ =	shalt  }
0x55: {  	_ =	shalt  }
0x56: {  	_ =	shalt  }
0x57: {  	_ =	shalt  }
0x58: {  	_ =	shalt  }
0x59: {  	_ =	shalt  }
0x5a: {  	_ =	shalt  }
0x5b: {  	_ =	shalt  }
0x5c: {  	_ =	shalt  }
0x5d: {  	_ =	shalt  }
0x5e: {  	_ =	shalt  }
0x5f: {  	_ =	shalt  }
0x60: {  	_ =	shalt  }
0x61: {  	_ =	shalt  }
0x62: {  	_ =	shalt  }
0x63: {  	_ =	shalt  }
0x64: {  	_ =	shalt  }
0x65: {  	_ =	shalt  }
0x66: {  	_ =	shalt  }
0x67: {  	_ =	shalt  }
0x68: {  	_ =	shalt  }
0x69: {  	_ =	shalt  }
0x6a: {  	_ =	shalt  }
0x6b: {  	_ =	shalt  }
0x6c: {  	_ =	shalt  }
0x6d: {  	_ =	shalt  }
0x6e: {  	_ =	shalt  }
0x6f: {  	_ =	shalt  }
0x70: {  	_ =	shalt  }
0x71: {  	_ =	shalt  }
0x72: {  	_ =	shalt  }
0x73: {  	_ =	shalt  }
0x74: {  	_ =	shalt  }
0x75: {  	_ =	shalt  }
0x76: {  	_ =	shalt  }
0x77: {  	_ =	shalt  }
0x78: {  	_ =	shalt  }
0x79: {  	_ =	shalt  }
0x7a: {  	_ =	shalt  }
0x7b: {  	_ =	shalt  }
0x7c: {  	_ =	shalt  }
0x7d: {  	_ =	shalt  }
0x7e: {  	_ =	shalt  }
0x7f: {  	_ =	shalt  }
0x80: {  	_ =	shalt  }
0x81: {  	_ =	shalt  }
0x82: {  	_ =	shalt  }
0x83: {  	_ =	shalt  }
0x84: {  	_ =	shalt  }
0x85: {  	_ =	shalt  }
0x86: {  	_ =	shalt  }
0x87: {  	_ =	shalt  }
.Lfunc_end0:
.L_simem_size_0:
called_computation_lowered:
.L_overlay_start_0:
0x88: {  	s2 =	sld [smem:$0x3FD9]  }
0x89: {  	s3 =	sld [smem:$0x3FFE];
	_ =	sdelay $0x1  }
0x8a: {  	s1 =	srdreg.scid  }
0x8b: {  	s0 =	sand.u32 $0x1, s1  }
0x8c: {  	s18 =	sshll.u32 s0, $0xA;
	s2 =	sadd.s32 s3, s2  }
0x8d: {  	s2 =	sadd.s32 s2, s18  }
0x8e: {  	[smem:$0x3FC7] =	sst s2  }
0x8f: {  	_ = 	snop  }
0x90: {  	s2 =	sld [smem:$0x3FC9]  }
0x91: {  	s19 =	sld [smem:$0x3FD0];
	(tm) =	ssettm $0x1  }
0x92: {  	s4 =	sld [smem:$0x3FFB];
	_ =	sdelay $0x3  }
0x93: {  	_ =	strace s4  }
0x94: {  	s4 =	sld [smem:$0x3FFC];
	_ =	sdelay $0x3  }
0x95: {  	_ =	strace s4  }
0x96: {  	s4 =	sld [smem:$0x3FFD];
	_ =	sdelay $0x3  }
0x97: {  	_ =	strace s4  }
0x98: {  	_ =	strace $0x8FFFFFFF  }
0x99: {  	s20 =	sld [smem:$0x3FDB];
	_ =	sdelay $0x1  }
0x9a: {  	s5 =	simm.s32 $_scs_section_size  }
0x9b: {  	s6 =	simm.s32 $_size__tile_overlayer_lowered;
	s7 =	simm.s32 $_tile_overlayer_lowered  }
0x9c: {  	s23 =	simm.s32 $0x1BFF;
	s22 =	sshll.u32 s7, $0x1;
	s4 =	sadd.s32 s5, s20  }
0x9d: {  	s8 =	simm.s32 $0x0;
	s21 =	sshll.u32 s6, $0x1;
	s6 =	sadd.s32 s22, s4  }
0x9e: {  	[timem:s8], [sflag:s23] =	dma.local [hbm:s6], s21  }
0x9f: {  	_ =	swait.ge [sflag:s23], s21  }
0xa0: {  	s5 =	ssub.s32 $0x0, s21;
	[sflag:s23] =	ssyncset.done $0x0  }
0xa1: {  	[sflag:s23] =	ssyncadd.s32 s5;
	_ =	sdelay $0x1  }
0xa2: {  	s24 =	simm.s32 $0x1B8B  }
0xa3: {  	_ =	swait.ge [sflag:s24], $0x1  }
0xa4: {  	[sflag:s24] =	ssyncset.done $0x0  }
0xa5: {  	s25 =	simm.s32 $0x1B8E;
	[sflag:s24] =	ssyncadd.s32 $0xFFFFFFFF  }
0xa6: {  	s26 =	simm.s32 $execute0_lowered;
	[smem:$0x3FD2] =	sst s25  }
0xa7: {  	s5 =	sshll.u32 s26, $0x1;
	_ =	strace $0x80000046;
	[dreg:$0x1] =	wrdreg $0xFFFFFFFF  }
0xa8: {  	s28 =	simm.s32 $_size_execute0_lowered;
	s4 =	sadd.s32 s4, s5;
	[dreg:$0x0] =	wrdreg $0x0  }
0xa9: {  	s5 =	sshll.u32 s28, $0x1;
	[dreg:$0x2] =	wrdreg s4  }
0xaa: {  	[dreg:$0x3] =	wrdreg s5  }
0xab: {  	[dreg:$0x4] =	wrdreg $0xC0  }
0xac: {  	_ =	task [dreg:s8], $0x5FFFF  }
0xad: {  	[dreg:$0x1] =	wrdreg $0xFFFFFFFF  }
0xae: {  	[dreg:$0x0] =	wrdreg $0x60  }
0xaf: {  	[dreg:$0x2] =	wrdreg s2  }
0xb0: {  	[dreg:$0x3] =	wrdreg s19  }
0xb1: {  	[dreg:$0x4] =	wrdreg $0x9  }
0xb2: {  	_ =	task.clear_ibuf [dreg:s8], $0x5FFFF;
	_ =	strace $0x90000046  }
0xb3: {  	s29 =	simm.s32 $0x9;
	_ =	strace $0x80000048  }
0xb4: {  	_ =	swait.ge [sflag:s29], $0x1  }
0xb5: {  	[sflag:s29] =	ssyncadd.s32 $0xFFFFFFFF  }
0xb6: {  	_ =	strace $0x90000048  }
0xb7: {  	_ =	sfence  }
0xb8: {  	s30 =	sld [smem:$0x0];
	_ =	sdelay $0x2  }
0xb9: {  	s31 =	sshll.u32 s1, $0xD;
	s1 =	sshrl.u32 s1, $0x2  }
0xba: {  	s3 =	sand.u32 $0x4000, s31;
	s1 =	sadd.s32 s1, s30  }
0xbb: {  	s0 =	sor.u32 s3, s0;
	s1 =	sshll.u32 s1, $0x11  }
0xbc: {  	s0 =	sor.u32 s1, s0  }
0xbd: {  	s0 =	sadd.s32 $0x8F2B, s0  }
0xbe: {  	[sflag:s0] =	ssyncadd.remote.s32 $0x1  }
0xbf: {  	_ =	sfence.sel $0xFFFF  }
0xc0: {  	[dreg:$0x0] =	wrdreg $0xFFFFFFFF;
	(pc) =	sbr.abs _section_cstart, $3  }
0xc1: {  	[dreg:$0x1] =	wrdreg $0xFFFFFFFF  }
0xc2: {  	_ =	task.clear_ibuf [dreg:s8], $0x2FFFF;
	_ =	strace $0x9FFFFFFF  }
0xc3: {  	(tm) =	ssettm $0x7FFFFFFF  }
tec
execute0_lowered:
.L_overlay_start_1:
0x0: {  	(tag) =	ssettag $0x1  }
0x1: {  	s3 =	rddreg [dreg:$0x0];
	s1 =	srdreg.scid  }
0x2: {  	s0 =	stileid.u32;
	s4 =	rddreg [dreg:$0x1];
	s9 =	simm.s32 $0x400  }
0x3: {  	s10 =	simm.s32 $0x0;
	s5 =	sand.u32 $0x1, s1;
	s2 =	sshll.u32 s0, $0x1  }
0x4: {  	s1 =	rddreg [dreg:$0x2];
	s7 =	sshrl.u32 s0, $0x2;
	s6 =	sor.u32 s5, s2  }
0x5: {  	s2 =	simm.s32 $0x0;
	s7 =	smul.u32 $0x14000, s7;
	s5 =	ssub.s32 $0x2, s5  }
0x6: {  	s8 =	sshll.u32 s6, $0x7;
	[smem:$0x7FF] =	sst s2;
	s6 =	smul.u32 $0x4E2, s6  }
0x7: {  	s31 =	sshrl.u32 s5, $0x1;
	s8 =	sand.u32 $0x380, s8;
	_ =	strace $0x80000047  }
0x8: {  	s5 =	ssub.s32 s5, s31;
	s7 =	sor.u32 s7, s8;
	s3 =	sadd.s32 s3, s6  }
0x9: {  	s5 =	smax.u32 s5, $0x1;
	s6 =	simm.s32 $0x1;
	s7 =	sshrl.u32 s7, $0x3  }
0xa: {  	v0 =	vimm.f32 $0.0e+00;
	v1 =	vimm.f32 $1.000000000e+00;
	s8 =	simm.s32 $0x80;
	s4 =	sadd.s32 s4, s7;
	s7 =	simm.s32 $0x2780  }
.LBB2_1:
0xb: {  	[tilespmem:s2], [sflag:$0x1] =	stream.linear.gather [hbm4b:s3+s2], $0x2710, $0x38;
	[tilespmem:$0x4F80] =	vst v63  }
0xc: {  	_ =	swait.ge [sflag:s6], $0x2710  }
0xd: {  	[sflag:s6] =	ssyncset.done $0x0  }
0xe: {  	s13 =	simm.s32 $0x27C0;
	[sflag:s6] =	ssyncadd.s32 $0xFFFFD8F0  }
0xf: {  	[tilespmem:s13+$0xFFFFFFC0] =	vst v0  }
0x10: {  	[tilespmem:s13+$0x30] =	vst v0  }
0x11: {  	[tilespmem:s13+$0x20] =	vst v0  }
0x12: {  	[tilespmem:s13+$0x10] =	vst v0  }
0x13: {  	[tilespmem:s13+$0x0] =	vst v0  }
0x14: {  	[tilespmem:s13+$0xFFFFFFF0] =	vst v0  }
0x15: {  	s11 =	simm.s32 $0xFFFFFFF8;
	s14 =	simm.s32 $0x0;
	[tilespmem:s13+$0xFFFFFFE0] =	vst v0  }
.LBB2_2:
0x16: {  	s14 =	sadd.s32 $0x8, s14;
	[tilespmem:s13+$0xFFFFFFD0] =	vst v0;
	s13 =	sadd.s32 $0x80, s13;
	s12 =	simm.s32 $0x40  }
0x17: {  	[tilespmem:s13+$0xFFFFFFC0] =	vst v0;
	p0 =	slt.u32 s14, $0x278  }
0x18: {  	[tilespmem:s13+$0x30] =	vst v0  }
.Ltmp0:
0x19: {  	[tilespmem:s13+$0x20] =	vst v0;
	(pc) =	sbr.rel @p0 .LBB2_2-.Ltmp0, $4  }
0x1a: {  	[tilespmem:s13+$0x10] =	vst v0  }
0x1b: {  	[tilespmem:s13+$0x0] =	vst v0  }
0x1c: {  	[tilespmem:s13+$0xFFFFFFF0] =	vst v0  }
0x1d: {  	[tilespmem:s13+$0xFFFFFFE0] =	vst v0  }
0x1e: {  	[tilespmem:s13+$0xFFFFFFD0] =	vst v0  }
.LBB2_4:
0x1f: {  	v2 =	vld [tilespmem:s12+$0xFFFFFFC0];
	_ =	sdelay $0x7  }
0x20: {  	[tilespmem:v2+s7+$0x0] =	vst.idx.add.f32.msk $0xffff, v1  }
0x21: {  	v2 =	vld [tilespmem:s12+$0xFFFFFFD0];
	_ =	sdelay $0x7  }
0x22: {  	[tilespmem:v2+s7+$0x0] =	vst.idx.add.f32.msk $0xffff, v1  }
0x23: {  	v2 =	vld [tilespmem:s12+$0xFFFFFFE0];
	_ =	sdelay $0x7  }
0x24: {  	[tilespmem:v2+s7+$0x0] =	vst.idx.add.f32.msk $0xffff, v1  }
0x25: {  	v2 =	vld [tilespmem:s12+$0xFFFFFFF0];
	_ =	sdelay $0x7  }
0x26: {  	[tilespmem:v2+s7+$0x0] =	vst.idx.add.f32.msk $0xffff, v1  }
0x27: {  	v2 =	vld [tilespmem:s12+$0x0];
	_ =	sdelay $0x7  }
0x28: {  	[tilespmem:v2+s7+$0x0] =	vst.idx.add.f32.msk $0xffff, v1  }
0x29: {  	v2 =	vld [tilespmem:s12+$0x10];
	_ =	sdelay $0x7  }
0x2a: {  	[tilespmem:v2+s7+$0x0] =	vst.idx.add.f32.msk $0xffff, v1  }
0x2b: {  	v2 =	vld [tilespmem:s12+$0x20];
	_ =	sdelay $0x7  }
0x2c: {  	[tilespmem:v2+s7+$0x0] =	vst.idx.add.f32.msk $0xffff, v1  }
0x2d: {  	v2 =	vld [tilespmem:s12+$0x30];
	_ =	sdelay $0x1  }
0x2e: {  	s11 =	sadd.s32 $0x8, s11  }
0x2f: {  	p0 =	slt.u32 s11, $0x268  }
.Ltmp1:
0x30: {  	_ = 	snop;
	(pc) =	sbr.rel @p0 .LBB2_4-.Ltmp1, $2  }
0x31: {  	_ =	sdelay $0x2  }
0x32: {  	s12 =	sadd.s32 $0x80, s12;
	[tilespmem:v2+s7+$0x0] =	vst.idx.add.f32.msk $0xffff, v1  }
0x33: {  	v2 =	vld [tilespmem:$0x2700];
	_ =	sdelay $0x5  }
0x34: {  	s10 =	sadd.s32 $0x1, s10  }
0x35: {  	p0 =	sne.s32 s10, s5  }
.Ltmp2:
0x36: {  	[tilespmem:v2+s7+$0x0] =	vst.idx.add.f32.msk $0xffff, v1;
	(pc) =	sbr.rel @p0 .LBB2_1-.Ltmp2, $4  }
0x37: {  	[hbm4b:s4+s8] =	stream.strided.scatter [tilespmem:s7], [sflag:$0x1], $0x2800, s9, s8, $0x38;
	[tilespmem:$0x4F80] =	vst v63  }
0x38: {  	_ =	swait.ge [sflag:s6], $0x2800  }
0x39: {  	[sflag:s6] =	ssyncset.done $0x0  }
0x3a: {  	[sflag:s6] =	ssyncadd.s32 $0xFFFFD800  }
0x3b: {  	_ =	sfence.sel $0x180000  }
0x3c: {  	[bflag:$0x0] =	sbarrier.arrive $0xFFFF  }
0x3d: {  	p0 =	sne.s32 s0, $0x0;
	_ =	strace $0x90000047  }
0x3e: {  	s0 =	sadd.s32 @!p0 $0x100000, s1;
	[bflag:$0x2] =	sbarrier.arrive $0xFFFF  }
0x3f: {  	[sflag:s0] =	ssyncadd.tile.s32 @!p0 $0x1;
	_ =	shalt  }
.Lfunc_end2:
_tile_overlayer_lowered:
.L_overlay_start_2:
0x40: {  	(tag) =	ssettag $0x2  }
0x41: {  	s0 =	rddreg [dreg:$0x0];
	s2 =	stileid.u32  }
0x42: {  	s1 =	rddreg [dreg:$0x1];
	p0 =	sne.s32 s2, $0x0  }
0x43: {  	s3 =	rddreg [dreg:$0x2];
	[bflag:$0x3] =	sbarrier.arrive $0xFFFF;
	s2 =	simm.s32 @!p0 $0x1C01  }
0x44: {  	[timem:s3], [sflag:s2] =	dma.local @!p0 [hbm:s0], s1  }
0x45: {  	s0 =	simm.s32 @!p0 $0x1  }
0x46: {  	_ =	swait.ge @!p0 [sflag:s0], s1  }
0x47: {  	s1 =	ssub.s32 @!p0 $0x0, s1;
	[sflag:s0] =	ssyncset.done @!p0 $0x0  }
0x48: {  	[sflag:s0] =	ssyncadd.s32 @!p0 s1  }
0x49: {  	[bflag:$0x3] =	sbarrier.arrive $0xFFFF  }
0x4a: {  	_ =	shalt  }

</sc_bundles>
